<compile_context>
chip_gen: v7x
topology: tpu7x:2x2x1
jax: 0.10.2.dev20260603
libtpu: 0.0.44.dev20260713+nightly
codegen_flags: <defaults>
</compile_context>

<pallas_src>
import functools

import jax
import jax.numpy as jnp
from jax import lax
from jax.experimental import pallas as pl
from jax.experimental.pallas import tpu as pltpu
from jax.experimental.pallas import tpu_sc as plsc

_N_E = 8192
_D = 32
_ROWS = 1024
_WIN = 2048


def _argmin_body(z_ref, e_ref, idx_ref, e2_ref, en_ref):
    @pl.when(pl.program_id(0) == 0)
    def _init():
        e = e_ref[...]
        e2_ref[...] = e.astype(jnp.bfloat16) * jnp.bfloat16(-2)
        en_ref[...] = jnp.sum(e * e, axis=1)[None, :]

    zb = z_ref[...]
    zb_bf = zb.astype(jnp.bfloat16)
    zn = jnp.sum(zb * zb, axis=1, keepdims=True)
    acc_v = jnp.full((_ROWS,), jnp.inf, jnp.float32)
    acc_i = jnp.zeros((_ROWS,), jnp.int32)
    big = jnp.int32(2**31 - 1)
    for w in range(_N_E // _WIN):
        ew2 = e2_ref[w * _WIN:(w + 1) * _WIN, :]
        en_w = en_ref[0:1, w * _WIN:(w + 1) * _WIN]
        dot = lax.dot_general(zb_bf, ew2, (((1,), (1,)), ((), ())),
                              preferred_element_type=jnp.float32)
        dw = (zn + en_w) + dot
        mv = jnp.min(dw, axis=1)
        lane = lax.broadcasted_iota(jnp.int32, (_ROWS, _WIN), 1)
        iv = jnp.min(jnp.where(dw == mv[:, None], lane, big),
                     axis=1) + w * _WIN
        take = mv < acc_v
        acc_i = jnp.where(take, iv, acc_i)
        acc_v = jnp.where(take, mv, acc_v).astype(jnp.bfloat16).astype(jnp.float32)
    idx_ref[0, 0, :] = acc_i


def _tc_argmin(zf, emb):
    nblk = zf.shape[0] // _ROWS
    out = pl.pallas_call(
        _argmin_body,
        grid=(nblk,),
        in_specs=[
            pl.BlockSpec((_ROWS, _D), lambda i: (i, 0)),
            pl.BlockSpec((_N_E, _D), lambda i: (0, 0)),
        ],
        out_specs=pl.BlockSpec((1, 1, _ROWS), lambda i: (i, 0, 0)),
        out_shape=jax.ShapeDtypeStruct((nblk, 1, _ROWS), jnp.int32),
        scratch_shapes=[
            pltpu.VMEM((_N_E, _D), jnp.bfloat16),
            pltpu.VMEM((1, _N_E), jnp.float32),
        ],
    )(zf, emb)
    return out.reshape(-1)


def _sc_gather(emb, idx):
    info = plsc.get_sparse_core_info()
    nc, ns = info.num_cores, info.num_subcores
    nw = nc * ns
    b = idx.shape[0]
    bpw = b // nw

    @functools.partial(
        pl.kernel,
        mesh=plsc.VectorSubcoreMesh(core_axis_name="c", subcore_axis_name="s"),
        compiler_params=pltpu.CompilerParams(use_tc_tiling_on_sc=False),
        out_type=jax.ShapeDtypeStruct((b, _D), jnp.float32),
        scratch_types=[
            pltpu.VMEM((bpw,), jnp.int32),
            pltpu.VMEM((bpw, _D), jnp.float32),
            pltpu.SemaphoreType.DMA,
        ],
    )
    def gk(table_hbm, idx_hbm, out_hbm, idx_v, rows_v, sem):
        wid = lax.axis_index("s") * nc + lax.axis_index("c")
        base = wid * bpw
        pltpu.sync_copy(idx_hbm.at[pl.ds(base, bpw)], idx_v)
        pltpu.async_copy(table_hbm.at[idx_v], rows_v, sem).wait()
        pltpu.sync_copy(rows_v, out_hbm.at[pl.ds(base, bpw)])

    return gk(emb, idx)


def kernel(z, embeddings):
    zf = z.reshape(-1, z.shape[-1])
    idx = _tc_argmin(zf, embeddings)
    zq = _sc_gather(embeddings, idx).reshape(z.shape)
    return zq, idx.reshape(z.shape[:-1])

# --- scband reference (transcript-rebuilt; emitter-appended) ---
"""Pipeline reference for scband-vector-quantizer-16226386444646 (READ-ONLY COPY).

The authoritative reference and input builder live on the scoring server;
editing this copy changes nothing except your own understanding.
"""

import jax, jax.numpy as jnp
import numpy as np

N_E = 8192
E_DIM = 32

def setup_inputs(seed: int = 0) -> dict:
    key = jax.random.key(seed)
    k1, k2 = jax.random.split(key)
    z = jax.random.normal(k1, (8, 1024, E_DIM), dtype=jnp.float32)
    embeddings = jax.random.uniform(k2, (N_E, E_DIM), dtype=jnp.float32, minval=-1.0 / N_E, maxval=1.0 / N_E)
    return {"z": z, "embeddings": embeddings}

def reference(z, embeddings):
    z_flattened = z.reshape(-1, z.shape[-1])
    d = (jnp.sum(z_flattened ** 2, axis=1, keepdims=True)
         + jnp.sum(embeddings.T ** 2, axis=0, keepdims=True)
         - 2 * jnp.einsum('bd,nd->bn', z_flattened, embeddings))
    min_encoding_indices = jnp.argmin(d, axis=1)
    z_q = jnp.take(embeddings, min_encoding_indices, axis=0)
    z_q = jnp.reshape(z_q, z.shape)
    z_q = z + jax.lax.stop_gradient(z_q - z)
    min_encoding_indices = jnp.reshape(min_encoding_indices, z.shape[:-1])
    return (z_q, min_encoding_indices)

if __name__ == "__main__":
    import jax
    _d = setup_inputs()
    print(jax.jit(kernel)(*tuple(_d.values())))

</pallas_src>

<mosaic_0001>
#map = affine_map<(d0, d1) -> (0, 0)>
#map1 = affine_map<(d0, d1) -> (0)>
module attributes {stable_mosaic.version = 14 : i64} {
  func.func @gk(%arg0: i32, %arg1: i32, %arg2: memref<8192x32xf32, #tpu.memory_space<hbm>>, %arg3: memref<8192xi32, #tpu.memory_space<hbm>>, %arg4: memref<8192x32xf32, #tpu.memory_space<hbm>>, %arg5: memref<256xi32, #tpu.memory_space<vmem>>, %arg6: memref<256x32xf32, #tpu.memory_space<vmem>>, %arg7: memref<!tpu.dma_semaphore, #tpu.memory_space<semaphore_mem>>) attributes {dimension_semantics = [#tpu.dimension_semantics<core_parallel>, #tpu.dimension_semantics<subcore_parallel>], iteration_bounds = array<i64: 2, 16>, scalar_prefetch = 0 : i64, scratch_operands = 3 : i64, tpu.core_type = #tpu.core_type<sc_vector_subcore>, window_params = [{transform_indices = #map}, {transform_indices = #map1}, {transform_indices = #map}]} {
    %mul3A = arith.constant 2 : i32
    %mul3A_0 = arith.muli %arg1, %mul3A : i32
    %add3A = arith.addi %mul3A_0, %arg0 : i32
    %mul3A_1 = arith.constant 256 : i32
    %mul3A_2 = arith.muli %add3A, %mul3A_1 : i32
    "tpu.region"() ({
      %run_scoped3A = tpu.sem_alloc : memref<!tpu.dma_semaphore, #tpu.memory_space<semaphore_mem>>
      %dma_start3A_7 = tpu.memref_slice %arg3[%mul3A_2] : memref<8192xi32, #tpu.memory_space<hbm>> -> memref<256xi32, #tpu.memory_space<hbm>>
      %dma_start3A_8 = tpu.memref_slice %arg3[%mul3A_2] : memref<8192xi32, #tpu.memory_space<hbm>> -> memref<256xi32, #tpu.memory_space<hbm>>
      tpu.enqueue_dma source(%dma_start3A_8 : memref<256xi32, #tpu.memory_space<hbm>>) target(%arg5 : memref<256xi32, #tpu.memory_space<vmem>>) target_semaphore(%run_scoped3A : memref<!tpu.dma_semaphore, #tpu.memory_space<semaphore_mem>>)
      %dma_wait3A_9 = tpu.memref_slice %arg3[%mul3A_2] : memref<8192xi32, #tpu.memory_space<hbm>> -> memref<256xi32, #tpu.memory_space<hbm>>
      %dma_wait3A_10 = tpu.memref_slice %arg3[%mul3A_2] : memref<8192xi32, #tpu.memory_space<hbm>> -> memref<256xi32, #tpu.memory_space<hbm>>
      tpu.wait_dma2 semaphore(%run_scoped3A : memref<!tpu.dma_semaphore, #tpu.memory_space<semaphore_mem>>) src(%dma_wait3A_10 : memref<256xi32, #tpu.memory_space<hbm>>) dst(%arg5 : memref<256xi32, #tpu.memory_space<vmem>>)
      tpu.yield
    }) : () -> ()
    %dma_start3A = arith.constant 0 : i32
    %dma_start3A_3 = arith.constant 0 : i32
    %dma_start3A_4 = tpu.memref_slice %arg2[%dma_start3A, %dma_start3A_3] : memref<8192x32xf32, #tpu.memory_space<hbm>> -> memref<8192x32xf32, #tpu.memory_space<hbm>>
    tpu.enqueue_indirect_dma source(%dma_start3A_4 : memref<8192x32xf32, #tpu.memory_space<hbm>>) target(%arg6 : memref<256x32xf32, #tpu.memory_space<vmem>>) offsets(%arg5 : memref<256xi32, #tpu.memory_space<vmem>>) semaphore(%arg7 : memref<!tpu.dma_semaphore, #tpu.memory_space<semaphore_mem>>)
    %dma_wait3A = arith.constant 0 : i32
    %dma_wait3A_5 = arith.constant 0 : i32
    %dma_wait3A_6 = tpu.memref_slice %arg2[%dma_wait3A, %dma_wait3A_5] : memref<8192x32xf32, #tpu.memory_space<hbm>> -> memref<8192x32xf32, #tpu.memory_space<hbm>>
    tpu.wait_indirect_dma semaphore(%arg7 : memref<!tpu.dma_semaphore, #tpu.memory_space<semaphore_mem>>) src(%dma_wait3A_6 : memref<8192x32xf32, #tpu.memory_space<hbm>>) dst(%arg6 : memref<256x32xf32, #tpu.memory_space<vmem>>)
    "tpu.region"() ({
      %run_scoped3A = tpu.sem_alloc : memref<!tpu.dma_semaphore, #tpu.memory_space<semaphore_mem>>
      %dma_start3A_7 = arith.constant 0 : i32
      %dma_start3A_8 = tpu.memref_slice %arg4[%mul3A_2, %dma_start3A_7] : memref<8192x32xf32, #tpu.memory_space<hbm>> -> memref<256x32xf32, #tpu.memory_space<hbm>>
      %dma_start3A_9 = arith.constant 0 : i32
      %dma_start3A_10 = tpu.memref_slice %arg4[%mul3A_2, %dma_start3A_9] : memref<8192x32xf32, #tpu.memory_space<hbm>> -> memref<256x32xf32, #tpu.memory_space<hbm>>
      tpu.enqueue_dma source(%arg6 : memref<256x32xf32, #tpu.memory_space<vmem>>) target(%dma_start3A_10 : memref<256x32xf32, #tpu.memory_space<hbm>>) target_semaphore(%run_scoped3A : memref<!tpu.dma_semaphore, #tpu.memory_space<semaphore_mem>>)
      %dma_wait3A_11 = arith.constant 0 : i32
      %dma_wait3A_12 = tpu.memref_slice %arg4[%mul3A_2, %dma_wait3A_11] : memref<8192x32xf32, #tpu.memory_space<hbm>> -> memref<256x32xf32, #tpu.memory_space<hbm>>
      %dma_wait3A_13 = arith.constant 0 : i32
      %dma_wait3A_14 = tpu.memref_slice %arg4[%mul3A_2, %dma_wait3A_13] : memref<8192x32xf32, #tpu.memory_space<hbm>> -> memref<256x32xf32, #tpu.memory_space<hbm>>
      tpu.wait_dma2 semaphore(%run_scoped3A : memref<!tpu.dma_semaphore, #tpu.memory_space<semaphore_mem>>) src(%arg6 : memref<256x32xf32, #tpu.memory_space<vmem>>) dst(%dma_wait3A_14 : memref<256x32xf32, #tpu.memory_space<hbm>>)
      tpu.yield
    }) : () -> ()
    return
  }
}

module attributes {stable_mosaic.version = 14 : i64} {
  func.func @_argmin_body(%arg0: i32, %arg1: memref<1024x32xf32, #tpu.memory_space<vmem>>, %arg2: memref<8192x32xf32, #tpu.memory_space<vmem>>, %arg3: memref<1x1x1024xi32, #tpu.memory_space<vmem>>, %arg4: memref<8192x32xbf16, #tpu.memory_space<vmem>>, %arg5: memref<1x8192xf32, #tpu.memory_space<vmem>>) attributes {dimension_semantics = [#tpu.dimension_semantics<arbitrary>], iteration_bounds = array<i64: 8>, scalar_prefetch = 0 : i64, scratch_operands = 2 : i64, tpu.core_type = #tpu.core_type<tc>, window_params = [{transform_indices = @transform_0, window_bounds = array<i64: 1024, 32>}, {pipeline_mode = #tpu.pipeline_mode<synchronous>, transform_indices = @transform_1, window_bounds = array<i64: 8192, 32>}, {transform_indices = @transform_2, window_bounds = array<i64: 1, 1, 1024>}]} {
    %eq3A = arith.constant 0 : i32
    %eq3A_0 = arith.cmpi eq, %arg0, %eq3A : i32
    %convert_element_type3A = arith.extui %eq3A_0 : i1 to i32
    %cond3A = arith.constant 0 : i32
    %cond3A_1 = arith.cmpi ne, %convert_element_type3A, %cond3A : i32
    scf.if %cond3A_1 {
      %get3A_129 = arith.constant 0 : index
      %get3A_130 = arith.constant 0 : index
      %get3A_131 = vector.load %arg2[%get3A_129, %get3A_130] : memref<8192x32xf32, #tpu.memory_space<vmem>>, vector<8192x32xf32>
      %convert_element_type3A_132 = arith.truncf %get3A_131 : vector<8192x32xf32> to vector<8192x32xbf16>
      %mul3A_133 = arith.constant -2.000000e+00 : bf16
      %mul3A_134 = vector.broadcast %mul3A_133 : bf16 to vector<8192x32xbf16>
      %mul3A_135 = arith.mulf %convert_element_type3A_132, %mul3A_134 : vector<8192x32xbf16>
      %swap3A_136 = arith.constant 0 : index
      %swap3A_137 = arith.constant 0 : index
      %swap3A_138 = vector.load %arg4[%swap3A_136, %swap3A_137] : memref<8192x32xbf16, #tpu.memory_space<vmem>>, vector<8192x32xbf16>
      tpu.vector_store %arg4[%swap3A_136, %swap3A_137], %mul3A_135 {strides = array<i32>} : memref<8192x32xbf16, #tpu.memory_space<vmem>>, vector<8192x32xbf16>,
      %mul3A_139 = arith.mulf %get3A_131, %get3A_131 : vector<8192x32xf32>
      %reduce_sum3A_140 = arith.constant dense<0.000000e+00> : vector<8192xf32>
      %reduce_sum3A_141 = vector.multi_reduction <add>, %mul3A_139, %reduce_sum3A_140 [1] : vector<8192x32xf32> to vector<8192xf32>
      %broadcast_in_dim3A_142 = vector.shape_cast %reduce_sum3A_141 : vector<8192xf32> to vector<1x8192xf32>
      %swap3A_143 = arith.constant 0 : index
      %swap3A_144 = arith.constant 0 : index
      %swap3A_145 = vector.load %arg5[%swap3A_143, %swap3A_144] : memref<1x8192xf32, #tpu.memory_space<vmem>>, vector<1x8192xf32>
      tpu.vector_store %arg5[%swap3A_143, %swap3A_144], %broadcast_in_dim3A_142 {strides = array<i32>} : memref<1x8192xf32, #tpu.memory_space<vmem>>, vector<1x8192xf32>,
    } else {
    }
    %get3A = arith.constant 0 : index
    %get3A_2 = arith.constant 0 : index
    %get3A_3 = vector.load %arg1[%get3A, %get3A_2] : memref<1024x32xf32, #tpu.memory_space<vmem>>, vector<1024x32xf32>
    %convert_element_type3A_4 = arith.truncf %get3A_3 : vector<1024x32xf32> to vector<1024x32xbf16>
    %mul3A = arith.mulf %get3A_3, %get3A_3 : vector<1024x32xf32>
    %reduce_sum3A = arith.constant dense<0.000000e+00> : vector<1024xf32>
    %reduce_sum3A_5 = vector.multi_reduction <add>, %mul3A, %reduce_sum3A [1] : vector<1024x32xf32> to vector<1024xf32>
    %broadcast_in_dim3A = vector.shape_cast %reduce_sum3A_5 : vector<1024xf32> to vector<1024x1xf32>
    %broadcast_in_dim3A_6 = arith.constant 0x7F800000 : f32
    %broadcast_in_dim3A_7 = vector.broadcast %broadcast_in_dim3A_6 : f32 to vector<1024xf32>
    %broadcast_in_dim3A_8 = arith.constant 0 : i32
    %broadcast_in_dim3A_9 = vector.broadcast %broadcast_in_dim3A_8 : i32 to vector<1024xi32>
    %get3A_10 = arith.constant 0 : index
    %get3A_11 = arith.constant 0 : index
    %get3A_12 = vector.load %arg4[%get3A_10, %get3A_11] : memref<8192x32xbf16, #tpu.memory_space<vmem>>, vector<2048x32xbf16>
    %get3A_13 = arith.constant 0 : index
    %get3A_14 = arith.constant 0 : index
    %get3A_15 = vector.load %arg5[%get3A_13, %get3A_14] : memref<1x8192xf32, #tpu.memory_space<vmem>>, vector<1x2048xf32>
    %dot_general3A = arith.constant dense<0.000000e+00> : vector<1024x2048xf32>
    %dot_general3A_16 = tpu.matmul %convert_element_type3A_4, %get3A_12, %dot_general3A {dimension_numbers = #tpu.dot_dimension_numbers<[1], [1], [0], [0], [0, 0, 1, 0], [], []>, transpose_lhs_hint = false} : vector<1024x32xbf16>, vector<2048x32xbf16>, vector<1024x2048xf32> -> vector<1024x2048xf32>
    %add3A = vector.broadcast %broadcast_in_dim3A : vector<1024x1xf32> to vector<1024x2048xf32>
    %add3A_17 = vector.broadcast %get3A_15 : vector<1x2048xf32> to vector<1024x2048xf32>
    %add3A_18 = arith.addf %add3A, %add3A_17 : vector<1024x2048xf32>
    %add3A_19 = arith.addf %add3A_18, %dot_general3A_16 : vector<1024x2048xf32>
    %reduce_min3A = arith.constant dense<0x7F800000> : vector<1024xf32>
    %reduce_min3A_20 = vector.multi_reduction <minimumf>, %add3A_19, %reduce_min3A [1] : vector<1024x2048xf32> to vector<1024xf32>
    %iota3A = tpu.iota {dimensions = array<i32: 1>} : vector<1024x2048xi32>
    %broadcast_in_dim3A_21 = vector.shape_cast %reduce_min3A_20 : vector<1024xf32> to vector<1024x1xf32>
    %eq3A_22 = vector.broadcast %broadcast_in_dim3A_21 : vector<1024x1xf32> to vector<1024x2048xf32>
    %eq3A_23 = arith.cmpf oeq, %add3A_19, %eq3A_22 : vector<1024x2048xf32>
    %jit3A = arith.constant 2147483647 : i32
    %broadcast_in_dim3A_24 = vector.broadcast %jit3A : i32 to vector<1024x2048xi32>
    %select_n3A = arith.select %eq3A_23, %iota3A, %broadcast_in_dim3A_24 : vector<1024x2048xi1>, vector<1024x2048xi32>
    %reduce_min3A_25 = arith.constant dense<2147483647> : vector<1024xi32>
    %reduce_min3A_26 = vector.multi_reduction <minsi>, %select_n3A, %reduce_min3A_25 [1] : vector<1024x2048xi32> to vector<1024xi32>
    %add3A_27 = arith.constant 0 : i32
    %add3A_28 = vector.broadcast %add3A_27 : i32 to vector<1024xi32>
    %add3A_29 = arith.addi %reduce_min3A_26, %add3A_28 : vector<1024xi32>
    %lt3A = arith.cmpf olt, %reduce_min3A_20, %broadcast_in_dim3A_7 : vector<1024xf32>
    %select_n3A_30 = arith.select %lt3A, %add3A_29, %broadcast_in_dim3A_9 : vector<1024xi1>, vector<1024xi32>
    %select_n3A_31 = arith.select %lt3A, %reduce_min3A_20, %broadcast_in_dim3A_7 : vector<1024xi1>, vector<1024xf32>
    %convert_element_type3A_32 = arith.truncf %select_n3A_31 : vector<1024xf32> to vector<1024xbf16>
    %convert_element_type3A_33 = arith.extf %convert_element_type3A_32 : vector<1024xbf16> to vector<1024xf32>
    %get3A_34 = arith.constant 2048 : index
    %get3A_35 = arith.constant 0 : index
    %get3A_36 = vector.load %arg4[%get3A_34, %get3A_35] : memref<8192x32xbf16, #tpu.memory_space<vmem>>, vector<2048x32xbf16>
    %get3A_37 = arith.constant 0 : index
    %get3A_38 = arith.constant 2048 : index
    %get3A_39 = vector.load %arg5[%get3A_37, %get3A_38] : memref<1x8192xf32, #tpu.memory_space<vmem>>, vector<1x2048xf32>
    %dot_general3A_40 = arith.constant dense<0.000000e+00> : vector<1024x2048xf32>
    %dot_general3A_41 = tpu.matmul %convert_element_type3A_4, %get3A_36, %dot_general3A_40 {dimension_numbers = #tpu.dot_dimension_numbers<[1], [1], [0], [0], [0, 0, 1, 0], [], []>, transpose_lhs_hint = false} : vector<1024x32xbf16>, vector<2048x32xbf16>, vector<1024x2048xf32> -> vector<1024x2048xf32>
    %add3A_42 = vector.broadcast %broadcast_in_dim3A : vector<1024x1xf32> to vector<1024x2048xf32>
    %add3A_43 = vector.broadcast %get3A_39 : vector<1x2048xf32> to vector<1024x2048xf32>
    %add3A_44 = arith.addf %add3A_42, %add3A_43 : vector<1024x2048xf32>
    %add3A_45 = arith.addf %add3A_44, %dot_general3A_41 : vector<1024x2048xf32>
    %reduce_min3A_46 = arith.constant dense<0x7F800000> : vector<1024xf32>
    %reduce_min3A_47 = vector.multi_reduction <minimumf>, %add3A_45, %reduce_min3A_46 [1] : vector<1024x2048xf32> to vector<1024xf32>
    %iota3A_48 = tpu.iota {dimensions = array<i32: 1>} : vector<1024x2048xi32>
    %broadcast_in_dim3A_49 = vector.shape_cast %reduce_min3A_47 : vector<1024xf32> to vector<1024x1xf32>
    %eq3A_50 = vector.broadcast %broadcast_in_dim3A_49 : vector<1024x1xf32> to vector<1024x2048xf32>
    %eq3A_51 = arith.cmpf oeq, %add3A_45, %eq3A_50 : vector<1024x2048xf32>
    %jit3A_52 = arith.constant 2147483647 : i32
    %broadcast_in_dim3A_53 = vector.broadcast %jit3A_52 : i32 to vector<1024x2048xi32>
    %select_n3A_54 = arith.select %eq3A_51, %iota3A_48, %broadcast_in_dim3A_53 : vector<1024x2048xi1>, vector<1024x2048xi32>
    %reduce_min3A_55 = arith.constant dense<2147483647> : vector<1024xi32>
    %reduce_min3A_56 = vector.multi_reduction <minsi>, %select_n3A_54, %reduce_min3A_55 [1] : vector<1024x2048xi32> to vector<1024xi32>
    %add3A_57 = arith.constant 2048 : i32
    %add3A_58 = vector.broadcast %add3A_57 : i32 to vector<1024xi32>
    %add3A_59 = arith.addi %reduce_min3A_56, %add3A_58 : vector<1024xi32>
    %lt3A_60 = arith.cmpf olt, %reduce_min3A_47, %convert_element_type3A_33 : vector<1024xf32>
    %select_n3A_61 = arith.select %lt3A_60, %add3A_59, %select_n3A_30 : vector<1024xi1>, vector<1024xi32>
    %select_n3A_62 = arith.select %lt3A_60, %reduce_min3A_47, %convert_element_type3A_33 : vector<1024xi1>, vector<1024xf32>
    %convert_element_type3A_63 = arith.truncf %select_n3A_62 : vector<1024xf32> to vector<1024xbf16>
    %convert_element_type3A_64 = arith.extf %convert_element_type3A_63 : vector<1024xbf16> to vector<1024xf32>
    %get3A_65 = arith.constant 4096 : index
    %get3A_66 = arith.constant 0 : index
    %get3A_67 = vector.load %arg4[%get3A_65, %get3A_66] : memref<8192x32xbf16, #tpu.memory_space<vmem>>, vector<2048x32xbf16>
    %get3A_68 = arith.constant 0 : index
    %get3A_69 = arith.constant 4096 : index
    %get3A_70 = vector.load %arg5[%get3A_68, %get3A_69] : memref<1x8192xf32, #tpu.memory_space<vmem>>, vector<1x2048xf32>
    %dot_general3A_71 = arith.constant dense<0.000000e+00> : vector<1024x2048xf32>
    %dot_general3A_72 = tpu.matmul %convert_element_type3A_4, %get3A_67, %dot_general3A_71 {dimension_numbers = #tpu.dot_dimension_numbers<[1], [1], [0], [0], [0, 0, 1, 0], [], []>, transpose_lhs_hint = false} : vector<1024x32xbf16>, vector<2048x32xbf16>, vector<1024x2048xf32> -> vector<1024x2048xf32>
    %add3A_73 = vector.broadcast %broadcast_in_dim3A : vector<1024x1xf32> to vector<1024x2048xf32>
    %add3A_74 = vector.broadcast %get3A_70 : vector<1x2048xf32> to vector<1024x2048xf32>
    %add3A_75 = arith.addf %add3A_73, %add3A_74 : vector<1024x2048xf32>
    %add3A_76 = arith.addf %add3A_75, %dot_general3A_72 : vector<1024x2048xf32>
    %reduce_min3A_77 = arith.constant dense<0x7F800000> : vector<1024xf32>
    %reduce_min3A_78 = vector.multi_reduction <minimumf>, %add3A_76, %reduce_min3A_77 [1] : vector<1024x2048xf32> to vector<1024xf32>
    %iota3A_79 = tpu.iota {dimensions = array<i32: 1>} : vector<1024x2048xi32>
    %broadcast_in_dim3A_80 = vector.shape_cast %reduce_min3A_78 : vector<1024xf32> to vector<1024x1xf32>
    %eq3A_81 = vector.broadcast %broadcast_in_dim3A_80 : vector<1024x1xf32> to vector<1024x2048xf32>
    %eq3A_82 = arith.cmpf oeq, %add3A_76, %eq3A_81 : vector<1024x2048xf32>
    %jit3A_83 = arith.constant 2147483647 : i32
    %broadcast_in_dim3A_84 = vector.broadcast %jit3A_83 : i32 to vector<1024x2048xi32>
    %select_n3A_85 = arith.select %eq3A_82, %iota3A_79, %broadcast_in_dim3A_84 : vector<1024x2048xi1>, vector<1024x2048xi32>
    %reduce_min3A_86 = arith.constant dense<2147483647> : vector<1024xi32>
    %reduce_min3A_87 = vector.multi_reduction <minsi>, %select_n3A_85, %reduce_min3A_86 [1] : vector<1024x2048xi32> to vector<1024xi32>
    %add3A_88 = arith.constant 4096 : i32
    %add3A_89 = vector.broadcast %add3A_88 : i32 to vector<1024xi32>
    %add3A_90 = arith.addi %reduce_min3A_87, %add3A_89 : vector<1024xi32>
    %lt3A_91 = arith.cmpf olt, %reduce_min3A_78, %convert_element_type3A_64 : vector<1024xf32>
    %select_n3A_92 = arith.select %lt3A_91, %add3A_90, %select_n3A_61 : vector<1024xi1>, vector<1024xi32>
    %select_n3A_93 = arith.select %lt3A_91, %reduce_min3A_78, %convert_element_type3A_64 : vector<1024xi1>, vector<1024xf32>
    %convert_element_type3A_94 = arith.truncf %select_n3A_93 : vector<1024xf32> to vector<1024xbf16>
    %convert_element_type3A_95 = arith.extf %convert_element_type3A_94 : vector<1024xbf16> to vector<1024xf32>
    %get3A_96 = arith.constant 6144 : index
    %get3A_97 = arith.constant 0 : index
    %get3A_98 = vector.load %arg4[%get3A_96, %get3A_97] : memref<8192x32xbf16, #tpu.memory_space<vmem>>, vector<2048x32xbf16>
    %get3A_99 = arith.constant 0 : index
    %get3A_100 = arith.constant 6144 : index
    %get3A_101 = vector.load %arg5[%get3A_99, %get3A_100] : memref<1x8192xf32, #tpu.memory_space<vmem>>, vector<1x2048xf32>
    %dot_general3A_102 = arith.constant dense<0.000000e+00> : vector<1024x2048xf32>
    %dot_general3A_103 = tpu.matmul %convert_element_type3A_4, %get3A_98, %dot_general3A_102 {dimension_numbers = #tpu.dot_dimension_numbers<[1], [1], [0], [0], [0, 0, 1, 0], [], []>, transpose_lhs_hint = false} : vector<1024x32xbf16>, vector<2048x32xbf16>, vector<1024x2048xf32> -> vector<1024x2048xf32>
    %add3A_104 = vector.broadcast %broadcast_in_dim3A : vector<1024x1xf32> to vector<1024x2048xf32>
    %add3A_105 = vector.broadcast %get3A_101 : vector<1x2048xf32> to vector<1024x2048xf32>
    %add3A_106 = arith.addf %add3A_104, %add3A_105 : vector<1024x2048xf32>
    %add3A_107 = arith.addf %add3A_106, %dot_general3A_103 : vector<1024x2048xf32>
    %reduce_min3A_108 = arith.constant dense<0x7F800000> : vector<1024xf32>
    %reduce_min3A_109 = vector.multi_reduction <minimumf>, %add3A_107, %reduce_min3A_108 [1] : vector<1024x2048xf32> to vector<1024xf32>
    %iota3A_110 = tpu.iota {dimensions = array<i32: 1>} : vector<1024x2048xi32>
    %broadcast_in_dim3A_111 = vector.shape_cast %reduce_min3A_109 : vector<1024xf32> to vector<1024x1xf32>
    %eq3A_112 = vector.broadcast %broadcast_in_dim3A_111 : vector<1024x1xf32> to vector<1024x2048xf32>
    %eq3A_113 = arith.cmpf oeq, %add3A_107, %eq3A_112 : vector<1024x2048xf32>
    %jit3A_114 = arith.constant 2147483647 : i32
    %broadcast_in_dim3A_115 = vector.broadcast %jit3A_114 : i32 to vector<1024x2048xi32>
    %select_n3A_116 = arith.select %eq3A_113, %iota3A_110, %broadcast_in_dim3A_115 : vector<1024x2048xi1>, vector<1024x2048xi32>
    %reduce_min3A_117 = arith.constant dense<2147483647> : vector<1024xi32>
    %reduce_min3A_118 = vector.multi_reduction <minsi>, %select_n3A_116, %reduce_min3A_117 [1] : vector<1024x2048xi32> to vector<1024xi32>
    %add3A_119 = arith.constant 6144 : i32
    %add3A_120 = vector.broadcast %add3A_119 : i32 to vector<1024xi32>
    %add3A_121 = arith.addi %reduce_min3A_118, %add3A_120 : vector<1024xi32>
    %lt3A_122 = arith.cmpf olt, %reduce_min3A_109, %convert_element_type3A_95 : vector<1024xf32>
    %select_n3A_123 = arith.select %lt3A_122, %add3A_121, %select_n3A_92 : vector<1024xi1>, vector<1024xi32>
    %swap3A = arith.constant 0 : index
    %swap3A_124 = arith.constant 0 : index
    %swap3A_125 = arith.constant 0 : index
    %swap3A_126 = vector.load %arg3[%swap3A, %swap3A_124, %swap3A_125] : memref<1x1x1024xi32, #tpu.memory_space<vmem>>, vector<1x1x1024xi32>
    %swap3A_127 = vector.shape_cast %swap3A_126 : vector<1x1x1024xi32> to vector<1024xi32>
    %swap3A_128 = vector.shape_cast %select_n3A_123 : vector<1024xi32> to vector<1x1x1024xi32>
    tpu.vector_store %arg3[%swap3A, %swap3A_124, %swap3A_125], %swap3A_128 {strides = array<i32>} : memref<1x1x1024xi32, #tpu.memory_space<vmem>>, vector<1x1x1024xi32>,
    return
  }
  func.func @transform_0(%arg0: i32) -> (i32, i32) {
    %c0_i32 = arith.constant 0 : i32
    %c0_i32_0 = arith.constant 0 : i32
    return %arg0, %c0_i32 : i32, i32
  }
  func.func @transform_1(%arg0: i32) -> (i32, i32) {
    %c0_i32 = arith.constant 0 : i32
    %c0_i32_0 = arith.constant 0 : i32
    %c0_i32_1 = arith.constant 0 : i32
    return %c0_i32, %c0_i32_0 : i32, i32
  }
  func.func @transform_2(%arg0: i32) -> (i32, i32, i32) {
    %c0_i32 = arith.constant 0 : i32
    %c0_i32_0 = arith.constant 0 : i32
    %c0_i32_1 = arith.constant 0 : i32
    return %arg0, %c0_i32, %c0_i32_0 : i32, i32, i32
  }
}

</mosaic_0001>

<sc_bundles>
// kernel: kernel.4.cloned.1.call-start
scs
__scs_entry_jumppad:
0x0: {  	(pc) =	sbr.rel $0x88, $3  }
0x1: {  	(tag) =	ssettag $0x0;
	lr =	simm.s32 $0x1  }
0x2: {  	[smem:$0x3F9F] =	sst lr;
	_ =	strace $0xD0000000  }
0x3: {  	_ = 	snop  }
0x4: {  	_ = 	snop  }
0x5: {  	_ = 	snop  }
0x6: {  	_ = 	snop  }
0x7: {  	_ = 	snop  }
__scs_overlays_trampoline_lowered:
0x8: {  	[smem:$0x3FAE] =	sst s0  }
0x9: {  	[smem:$0x3FAF] =	sst s1  }
0xa: {  	[smem:$0x3FB0] =	sst s2  }
0xb: {  	[smem:$0x3FB1] =	sst s3  }
0xc: {  	[smem:$0x3FB2] =	sst s4  }
0xd: {  	[smem:$0x3FB3] =	sst s5  }
0xe: {  	[smem:$0x3FB4] =	sst s6  }
0xf: {  	[smem:$0x3FB5] =	sst s7  }
0x10: {  	[smem:$0x3FB6] =	sst s8  }
0x11: {  	[smem:$0x3FB7] =	sst s9;
	s0 =	simm.s32 @!p0 $0x0  }
0x12: {  	s1 =	sld [smem:$0x3F9D];
	s0 =	simm.s32 @p0 $0x1  }
0x13: {  	[smem:$0x3FB8] =	sst s0;
	s0 =	simm.s32 @!p1 $0x0  }
0x14: {  	s2 =	sld [smem:$0x3F9C];
	s0 =	simm.s32 @p1 $0x1  }
0x15: {  	[smem:$0x3FB9] =	sst s0;
	s0 =	simm.s32 @!p2 $0x0  }
0x16: {  	s3 =	sld [smem:$0x3FDB];
	s0 =	simm.s32 @p2 $0x1  }
0x17: {  	s4 =	simm.s32 $0x1BF5;
	[smem:$0x3FBB] =	sst s0  }
0x18: {  	s0 =	sld [smem:$0x3F9E];
	_ =	swait.ge [sflag:s4], $0x0  }
0x19: {  	s7 =	sld [smem:$0x3F9F]  }
0x1a: {  	s8 =	sadd.s32 $0xFFFFE003, lr  }
0x1b: {  	s9 =	sadd.s32 $0xFFFFFEF7, lr;
	s5 =	simm.s32 $0xFFFFFFFF;
	p2 =	slt.u32 s8, $0xFFFFF086  }
0x1c: {  	p1 =	slt.u32 s9, $0xF7A;
	s5 =	simm.s32 @!p2 $0x0  }
0x1d: {  	s5 =	simm.s32 @p1 $0x1;
	p0 =	seq.s32 s7, s2  }
0x1e: {  	s7 =	smul.u32 @!p0 $0xF7A, s2;
	p2 =	seq.s32 @!p0 s5, $0x0  }
0x1f: {  	s9 =	smul.u32 $0xF7A, s1;
	s8 =	simm.s32 @!p0 $0x1BF5;
	p2 =	por !p2, p0  }
0x20: {  	[sflag:s8] =	ssyncset.s32 @!p0 $0xFFFFF086;
	s6 =	sadd.s32 @!p0 s3, s7;
	s7 =	simm.s32 @!p0 $0x108  }
0x21: {  	s3 =	sadd.s32 s3, s9;
	s6 =	sadd.s32 @!p0 $0x88, s6;
	s7 =	simm.s32 @p2 $0x1082  }
0x22: {  	[simem:s7], [sflag:s8] =	dma.local @!p0 [hbm:s6], $0xF7A  }
0x23: {  	s9 =	sor.u32 $0xD0000000, s2;
	s6 =	simm.s32 $0x108;
	_ =	swait.ge @!p0 [sflag:s8], $0x0  }
0x24: {  	s3 =	sadd.s32 $0x88, s3;
	s6 =	simm.s32 @!p1 $0x1082;
	[sflag:s4] =	ssyncset.s32 $0xFFFFF086  }
0x25: {  	[simem:s6], [sflag:s4] =	dma.local [hbm:s3], $0xF7A  }
0x26: {  	[smem:$0x3F9F] =	sst s1;
	(tag) =	ssettag s2;
	_ =	strace s9  }
0x27: {  	s1 =	sld [smem:$0x3FAF]  }
0x28: {  	s2 =	sld [smem:$0x3FB0]  }
0x29: {  	s4 =	sld [smem:$0x3FB2]  }
0x2a: {  	p0 =	seq.s32 s5, $0x0;
	s5 =	sld [smem:$0x3FB3]  }
0x2b: {  	s6 =	sld [smem:$0x3FB4]  }
0x2c: {  	s7 =	sld [smem:$0x3FB5]  }
0x2d: {  	s3 =	simm.s32 $0x108;
	s8 =	sld [smem:$0x3FB6]  }
0x2e: {  	s3 =	simm.s32 @!p0 $0x1082;
	s9 =	sld [smem:$0x3FB7]  }
0x2f: {  	lr =	sadd.s32 s0, s3;
	s0 =	sld [smem:$0x3FAE]  }
0x30: {  	s3 =	sld [smem:$0x3FB1]  }
0x31: {  	[smem:$0x3FBA] =	sst s10  }
0x32: {  	s10 =	sld [smem:$0x3FB8];
	_ =	sdelay $0x3  }
0x33: {  	p0 =	seq.s32 s10, $0x1;
	s10 =	sld [smem:$0x3FBA];
	_ =	sdelay $0x3  }
0x34: {  	[smem:$0x3FBA] =	sst s10  }
0x35: {  	s10 =	sld [smem:$0x3FB9];
	_ =	sdelay $0x3  }
0x36: {  	p1 =	seq.s32 s10, $0x1;
	s10 =	sld [smem:$0x3FBA];
	_ =	sdelay $0x3  }
0x37: {  	[smem:$0x3FBA] =	sst s10  }
0x38: {  	s10 =	sld [smem:$0x3FBB]  }
0x39: {  	_ = 	snop;
	(pc) =	sbr.ind lr, $3  }
0x3a: {  	_ = 	snop  }
0x3b: {  	_ = 	snop  }
0x3c: {  	p2 =	seq.s32 s10, $0x1;
	s10 =	sld [smem:$0x3FBA]  }
0x3d: {  	_ =	shalt  }
0x3e: {  	_ =	shalt  }
0x3f: {  	_ =	shalt  }
0x40: {  	_ =	shalt  }
0x41: {  	_ =	shalt  }
0x42: {  	_ =	shalt  }
0x43: {  	_ =	shalt  }
0x44: {  	_ =	shalt  }
0x45: {  	_ =	shalt  }
0x46: {  	_ =	shalt  }
0x47: {  	_ =	shalt  }
0x48: {  	_ =	shalt  }
0x49: {  	_ =	shalt  }
0x4a: {  	_ =	shalt  }
0x4b: {  	_ =	shalt  }
0x4c: {  	_ =	shalt  }
0x4d: {  	_ =	shalt  }
0x4e: {  	_ =	shalt  }
0x4f: {  	_ =	shalt  }
0x50: {  	_ =	shalt  }
0x51: {  	_ =	shalt  }
0x52: {  	_ =	shalt  }
0x53: {  	_ =	shalt  }
0x54: {  	_ =	shalt  }
0x55: {  	_ =	shalt  }
0x56: {  	_ =	shalt  }
0x57: {  	_ =	shalt  }
0x58: {  	_ =	shalt  }
0x59: {  	_ =	shalt  }
0x5a: {  	_ =	shalt  }
0x5b: {  	_ =	shalt  }
0x5c: {  	_ =	shalt  }
0x5d: {  	_ =	shalt  }
0x5e: {  	_ =	shalt  }
0x5f: {  	_ =	shalt  }
0x60: {  	_ =	shalt  }
0x61: {  	_ =	shalt  }
0x62: {  	_ =	shalt  }
0x63: {  	_ =	shalt  }
0x64: {  	_ =	shalt  }
0x65: {  	_ =	shalt  }
0x66: {  	_ =	shalt  }
0x67: {  	_ =	shalt  }
0x68: {  	_ =	shalt  }
0x69: {  	_ =	shalt  }
0x6a: {  	_ =	shalt  }
0x6b: {  	_ =	shalt  }
0x6c: {  	_ =	shalt  }
0x6d: {  	_ =	shalt  }
0x6e: {  	_ =	shalt  }
0x6f: {  	_ =	shalt  }
0x70: {  	_ =	shalt  }
0x71: {  	_ =	shalt  }
0x72: {  	_ =	shalt  }
0x73: {  	_ =	shalt  }
0x74: {  	_ =	shalt  }
0x75: {  	_ =	shalt  }
0x76: {  	_ =	shalt  }
0x77: {  	_ =	shalt  }
0x78: {  	_ =	shalt  }
0x79: {  	_ =	shalt  }
0x7a: {  	_ =	shalt  }
0x7b: {  	_ =	shalt  }
0x7c: {  	_ =	shalt  }
0x7d: {  	_ =	shalt  }
0x7e: {  	_ =	shalt  }
0x7f: {  	_ =	shalt  }
0x80: {  	_ =	shalt  }
0x81: {  	_ =	shalt  }
0x82: {  	_ =	shalt  }
0x83: {  	_ =	shalt  }
0x84: {  	_ =	shalt  }
0x85: {  	_ =	shalt  }
0x86: {  	_ =	shalt  }
0x87: {  	_ =	shalt  }
.Lfunc_end0:
.L_simem_size_0:
called_computation_lowered:
.L_overlay_start_0:
0x88: {  	s2 =	sld [smem:$0x3FD9]  }
0x89: {  	s3 =	sld [smem:$0x3FFE];
	_ =	sdelay $0x1  }
0x8a: {  	s1 =	srdreg.scid  }
0x8b: {  	s0 =	sand.u32 $0x1, s1  }
0x8c: {  	s14 =	sshll.u32 s0, $0xA;
	s2 =	sadd.s32 s3, s2  }
0x8d: {  	s2 =	sadd.s32 s2, s14  }
0x8e: {  	[smem:$0x3FC6] =	sst s2  }
0x8f: {  	_ = 	snop  }
0x90: {  	s2 =	sld [smem:$0x3FD0];
	_ =	sdelay $0x2  }
0x91: {  	s15 =	simm.s32 $0xA;
	s4 =	simm.s32 $0x10  }
0x92: {  	[smem:s4], [sflag:s15] =	dma.local [hbm:s2], $0x1  }
0x93: {  	_ =	swait.eq [sflag:s15], $0x1  }
0x94: {  	[sflag:s15] =	ssyncset.done $0x0  }
0x95: {  	[sflag:s15] =	ssyncadd.s32 $0xFFFFFFFF  }
0x96: {  	s16 =	sld [smem:$0x10];
	(tm) =	ssettm $0x1  }
0x97: {  	s17 =	sld [smem:$0x3FFB];
	_ =	sdelay $0x3  }
0x98: {  	_ =	strace s17  }
0x99: {  	s3 =	sld [smem:$0x3FFC];
	_ =	sdelay $0x3  }
0x9a: {  	_ =	strace s3  }
0x9b: {  	s3 =	sld [smem:$0x3FFD];
	_ =	sdelay $0x3  }
0x9c: {  	_ =	strace s3  }
0x9d: {  	_ =	strace $0x8FFFFFFF  }
0x9e: {  	s18 =	sld [smem:$0x3FDB];
	_ =	sdelay $0x1  }
0x9f: {  	s19 =	simm.s32 $_scs_section_size  }
0xa0: {  	s5 =	simm.s32 $_size__tile_overlayer_lowered;
	s6 =	simm.s32 $_tile_overlayer_lowered  }
0xa1: {  	s22 =	simm.s32 $0x1BFF;
	s21 =	sshll.u32 s6, $0x1;
	s3 =	sadd.s32 s19, s18  }
0xa2: {  	s7 =	simm.s32 $0x0;
	s20 =	sshll.u32 s5, $0x1;
	s5 =	sadd.s32 s21, s3  }
0xa3: {  	[timem:s7], [sflag:s22] =	dma.local [hbm:s5], s20  }
0xa4: {  	_ =	swait.ge [sflag:s22], s20  }
0xa5: {  	s4 =	ssub.s32 $0x0, s20;
	[sflag:s22] =	ssyncset.done $0x0  }
0xa6: {  	[sflag:s22] =	ssyncadd.s32 s4;
	_ =	sdelay $0x1  }
0xa7: {  	s23 =	simm.s32 $0x1B8B  }
0xa8: {  	_ =	swait.ge [sflag:s23], $0x1  }
0xa9: {  	[sflag:s23] =	ssyncset.done $0x0  }
0xaa: {  	s25 =	simm.s32 $0x1B8E;
	s24 =	sld [smem:$0x3FFE];
	[sflag:s23] =	ssyncadd.s32 $0xFFFFFFFF  }
0xab: {  	s26 =	simm.s32 $execute0_lowered;
	[smem:$0x3FD2] =	sst s25  }
0xac: {  	s5 =	sshll.u32 s26, $0x1;
	_ =	strace $0x80000046;
	[dreg:$0x1] =	wrdreg $0xFFFFFFFF  }
0xad: {  	s28 =	simm.s32 $_size_execute0_lowered;
	s3 =	sadd.s32 s3, s5;
	[dreg:$0x0] =	wrdreg $0x0  }
0xae: {  	s5 =	sshll.u32 s28, $0x1;
	[dreg:$0x2] =	wrdreg s3  }
0xaf: {  	[dreg:$0x3] =	wrdreg s5  }
0xb0: {  	[dreg:$0x4] =	wrdreg $0xC0  }
0xb1: {  	_ =	task [dreg:s7], $0x5FFFF  }
0xb2: {  	[dreg:$0x1] =	wrdreg $0xFFFFFFFF  }
0xb3: {  	[dreg:$0x0] =	wrdreg $0x60  }
0xb4: {  	[dreg:$0x2] =	wrdreg s16  }
0xb5: {  	[dreg:$0x3] =	wrdreg s24  }
0xb6: {  	[dreg:$0x4] =	wrdreg $0x9  }
0xb7: {  	_ =	task.clear_ibuf [dreg:s7], $0x5FFFF;
	_ =	strace $0x90000046  }
0xb8: {  	s29 =	simm.s32 $0x9;
	_ =	strace $0x80000048  }
0xb9: {  	_ =	swait.ge [sflag:s29], $0x1  }
0xba: {  	[sflag:s29] =	ssyncadd.s32 $0xFFFFFFFF  }
0xbb: {  	_ =	strace $0x90000048  }
0xbc: {  	_ =	sfence  }
0xbd: {  	s30 =	sld [smem:$0x0];
	_ =	sdelay $0x2  }
0xbe: {  	s31 =	sshll.u32 s1, $0xD;
	s1 =	sshrl.u32 s1, $0x2  }
0xbf: {  	s3 =	sand.u32 $0x4000, s31;
	s1 =	sadd.s32 s1, s30  }
0xc0: {  	s0 =	sor.u32 s3, s0;
	s1 =	sshll.u32 s1, $0x11  }
0xc1: {  	s0 =	sor.u32 s1, s0  }
0xc2: {  	s0 =	sadd.s32 $0x8F2B, s0  }
0xc3: {  	[sflag:s0] =	ssyncadd.remote.s32 $0x1  }
0xc4: {  	_ =	sfence.sel $0xFFFF  }
0xc5: {  	[dreg:$0x0] =	wrdreg $0xFFFFFFFF;
	(pc) =	sbr.abs _section_cstart, $3  }
0xc6: {  	[dreg:$0x1] =	wrdreg $0xFFFFFFFF  }
0xc7: {  	_ =	task.clear_ibuf [dreg:s7], $0x2FFFF;
	_ =	strace $0x9FFFFFFF  }
0xc8: {  	(tm) =	ssettm $0x7FFFFFFF  }
0xc9: {  	_ =	shalt  }
tec
execute0_lowered:
.L_overlay_start_1:
0x0: {  	(tag) =	ssettag $0x1  }
0x1: {  	s1 =	srdreg.scid  }
0x2: {  	s0 =	stileid.u32;
	s6 =	sand.u32 $0x1, s1  }
0x3: {  	s2 =	rddreg [dreg:$0x0];
	s30 =	sshll.u32 s0, $0x9;
	s3 =	sshll.u32 s6, $0x8  }
0x4: {  	s8 =	rddreg [dreg:$0x1];
	s7 =	simm.s32 $0x1;
	s9 =	sor.u32 s3, s30  }
0x5: {  	s1 =	rddreg [dreg:$0x2];
	s3 =	simm.s32 $0x0;
	s4 =	sshrl.u32 s9, $0x3  }
0x6: {  	s10 =	ssub.s32 $0x2, s6;
	[smem:$0x7FF] =	sst s3;
	s4 =	sadd.s32 s4, s8  }
0x7: {  	_ =	strace $0x80000047;
	s5 =	sadd.s32 $0xA00, s4;
	s4 =	simm.s32 $0x2  }
0x8: {  	[tilespmem:s3], [sflag:$0x2] =	stream.linear.gather [hbm4b:s5+s3], $0x100, $0x38;
	[tilespmem:$0x2100] =	vst v63  }
0x9: {  	s6 =	simm.s32 $0x100;
	s11 =	sshrl.u32 s10, $0x1;
	_ =	swait.ge [sflag:s4], $0x100  }
0xa: {  	s9 =	sshll.u32 s9, $0x2;
	s31 =	ssub.s32 s10, s11;
	[sflag:s4] =	ssyncset.done $0x0  }
0xb: {  	s8 =	sadd.s32 s9, s8;
	s9 =	smax.u32 s31, $0x1;
	[sflag:s4] =	ssyncadd.s32 $0xFFFFFF00  }
0xc: {  	[tilespmem:s6], [sflag:$0x1] =	stream.indirect.gather [hbm4b:s2+s6], $0x20, s3, s6, $0xb8;
	[tilespmem:$0x2100] =	vst v63  }
0xd: {  	p0 =	sne.s32 s9, $0x1;
	_ =	swait.ge [sflag:s7], $0x2000  }
.Ltmp0:
0xe: {  	[sflag:s7] =	ssyncset.done $0x0;
	(pc) =	sbr.rel @!p0 .LBB2_2-.Ltmp0, $4  }
0xf: {  	s8 =	sadd.s32 $0xE00, s8;
	[sflag:s7] =	ssyncadd.s32 $0xFFFFE000  }
0x10: {  	[hbm4b:s8+s3] =	stream.linear.scatter [tilespmem:s6], [sflag:$0x2], $0x2000, $0x38;
	[tilespmem:$0x2100] =	vst v63  }
0x11: {  	_ =	swait.ge [sflag:s4], $0x2000  }
0x12: {  	s9 =	sadd.s32 $0xFFFFFFFF, s9;
	[sflag:s4] =	ssyncset.done $0x0  }
.LBB2_1:
0x13: {  	p0 =	sne.s32 s9, $0x1;
	s9 =	sadd.s32 $0xFFFFFFFF, s9;
	[sflag:s4] =	ssyncadd.s32 $0xFFFFE000  }
0x14: {  	[tilespmem:s3], [sflag:$0x2] =	stream.linear.gather [hbm4b:s5+s3], $0x100, $0x38;
	[tilespmem:$0x2100] =	vst v63  }
0x15: {  	_ =	swait.ge [sflag:s4], $0x100  }
0x16: {  	[sflag:s4] =	ssyncset.done $0x0  }
0x17: {  	[sflag:s4] =	ssyncadd.s32 $0xFFFFFF00  }
0x18: {  	[tilespmem:s6], [sflag:$0x1] =	stream.indirect.gather [hbm4b:s2+s6], $0x20, s3, s6, $0xb8;
	[tilespmem:$0x2100] =	vst v63  }
0x19: {  	_ =	swait.ge [sflag:s7], $0x2000  }
.Ltmp1:
0x1a: {  	[sflag:s7] =	ssyncset.done $0x0;
	(pc) =	sbr.rel @p0 .LBB2_1-.Ltmp1, $4  }
0x1b: {  	[sflag:s7] =	ssyncadd.s32 $0xFFFFE000  }
0x1c: {  	[hbm4b:s8+s3] =	stream.linear.scatter [tilespmem:s6], [sflag:$0x2], $0x2000, $0x38;
	[tilespmem:$0x2100] =	vst v63  }
0x1d: {  	_ =	swait.ge [sflag:s4], $0x2000  }
0x1e: {  	[sflag:s4] =	ssyncset.done $0x0  }
.LBB2_2:
0x1f: {  	[sflag:s4] =	ssyncadd.s32 $0xFFFFE000  }
0x20: {  	_ =	sfence.sel $0x180000  }
0x21: {  	[bflag:$0x0] =	sbarrier.arrive $0xFFFF  }
0x22: {  	p0 =	sne.s32 s0, $0x0;
	_ =	strace $0x90000047  }
0x23: {  	s0 =	sadd.s32 @!p0 $0x100000, s1;
	[bflag:$0x2] =	sbarrier.arrive $0xFFFF  }
0x24: {  	[sflag:s0] =	ssyncadd.tile.s32 @!p0 $0x1;
	_ =	shalt  }
.Lfunc_end2:
_tile_overlayer_lowered:
.L_overlay_start_2:
0x25: {  	(tag) =	ssettag $0x2  }
0x26: {  	s0 =	rddreg [dreg:$0x0];
	s2 =	stileid.u32  }
0x27: {  	s1 =	rddreg [dreg:$0x1];
	p0 =	sne.s32 s2, $0x0  }
0x28: {  	s3 =	rddreg [dreg:$0x2];
	[bflag:$0x3] =	sbarrier.arrive $0xFFFF;
	s2 =	simm.s32 @!p0 $0x1C02  }
0x29: {  	[timem:s3], [sflag:s2] =	dma.local @!p0 [hbm:s0], s1  }
0x2a: {  	s0 =	simm.s32 @!p0 $0x2  }
0x2b: {  	_ =	swait.ge @!p0 [sflag:s0], s1  }
0x2c: {  	s1 =	ssub.s32 @!p0 $0x0, s1;
	[sflag:s0] =	ssyncset.done @!p0 $0x0  }
0x2d: {  	[sflag:s0] =	ssyncadd.s32 @!p0 s1  }
0x2e: {  	[bflag:$0x3] =	sbarrier.arrive $0xFFFF  }
0x2f: {  	_ =	shalt  }

</sc_bundles>
